<compile_context>
chip_gen: v7x
topology: tpu7x:2x2x1
jax: 0.10.2.dev20260603
libtpu: 0.0.44.dev20260713+nightly
codegen_flags: <defaults>
</compile_context>

<pallas_src>
import jax
import jax.numpy as jnp
from jax.experimental import pallas as pl

INPUT_DIM = 768
VQ_DIM = 256
NUM_EMBED = 1024
SPLIT_NUM = 4


def _mk(x_ref, proj_ref, cbn_ref, out_ref):
    feat = jnp.dot(x_ref[...], proj_ref[...])
    norm = jnp.sqrt(jnp.sum(feat * feat, axis=1, keepdims=True))
    feat = feat / norm
    sim = jax.lax.dot_general(feat, cbn_ref[...], (((1,), (1,)), ((), ())))
    lane = jax.lax.broadcasted_iota(jnp.int32, sim.shape, 1)
    m = jnp.max(sim, axis=1, keepdims=True)
    idx = jnp.min(jnp.where(sim == m, lane, NUM_EMBED), axis=1, keepdims=True)
    out_ref[...] = idx.astype(jnp.int32)


def kernel(x, projector, codebook, random_matrix):
    b, t, n = x.shape
    x_fft = jnp.fft.rfft(x, axis=-1)
    x_fft_subsample = [x_fft * (random_matrix == i) for i in range(SPLIT_NUM)]
    x_fft_subsample = jnp.stack(x_fft_subsample, axis=2)
    x_recon = jnp.fft.irfft(x_fft_subsample, n=INPUT_DIM, axis=-1)
    rows = b * t * SPLIT_NUM
    xr = x_recon.reshape(rows, n)
    cbn = (codebook / jnp.linalg.norm(codebook, axis=-1, keepdims=True)
           ).reshape(NUM_EMBED, VQ_DIM)

    blk = 1024
    out = pl.pallas_call(
        _mk,
        grid=(rows // blk,),
        in_specs=[
            pl.BlockSpec((blk, n), lambda r: (r, 0)),
            pl.BlockSpec((INPUT_DIM, VQ_DIM), lambda r: (0, 0)),
            pl.BlockSpec((NUM_EMBED, VQ_DIM), lambda r: (0, 0)),
        ],
        out_specs=pl.BlockSpec((blk, 1), lambda r: (r, 0)),
        out_shape=jax.ShapeDtypeStruct((rows, 1), jnp.int32),
    )(xr, projector, cbn)
    return out.reshape(b, t, SPLIT_NUM, 1)

# --- scband reference (transcript-rebuilt; emitter-appended) ---
"""Pipeline reference for scband-quantize-33956011442481 (READ-ONLY COPY).

The authoritative reference and input builder live on the scoring server;
editing this copy changes nothing except your own understanding.
"""

import jax, jax.numpy as jnp
import numpy as np

INPUT_DIM = 768
VQ_DIM = 256
NUM_EMBED = 1024
CODEBOOK_NUM = 1
SPLIT_NUM = 4
B = 4
T = 2048


def setup_inputs(seed: int = 0) -> dict:
    key = jax.random.key(seed)
    k1, k2, k3, k4 = jax.random.split(key, 4)
    x = jax.random.normal(k1, (B, T, INPUT_DIM), dtype=jnp.float32)
    # xavier_normal_: std = sqrt(2 / (fan_in + fan_out))
    std = float(np.sqrt(2.0 / (INPUT_DIM + VQ_DIM)))
    projector = jax.random.normal(k2, (INPUT_DIM, VQ_DIM), dtype=jnp.float32) * std
    codebook = jax.random.normal(k3, (CODEBOOK_NUM, NUM_EMBED, VQ_DIM), dtype=jnp.float32)
    random_matrix = jax.random.randint(k4, (INPUT_DIM // 2 + 1,), 0, SPLIT_NUM)
    return {"x": x, "projector": projector, "codebook": codebook, "random_matrix": random_matrix}


def reference(x, projector, codebook, random_matrix):
    # torch.fft.rfft(x, dim=-1)
    x_fft = jnp.fft.rfft(x, axis=-1)  # [B, T, F] complex, F = INPUT_DIM//2 + 1
    # subsample the spectrum into split_num disjoint frequency groups
    x_fft_subsample = [x_fft * (random_matrix == i) for i in range(SPLIT_NUM)]
    x_fft_subsample = jnp.stack(x_fft_subsample, axis=2)  # [B, T, S, F]
    # torch irfft default n = 2*(F-1) = INPUT_DIM (even)
    x_recon = jnp.fft.irfft(x_fft_subsample, n=INPUT_DIM, axis=-1)  # [B, T, S, INPUT_DIM]
    x_feature = x_recon @ projector  # [B, T, S, VQ_DIM]
    x_feature_norm = jnp.linalg.norm(x_feature, axis=-1, keepdims=True)
    x_feature = x_feature / x_feature_norm
    codebook_norm = jnp.linalg.norm(codebook, axis=-1, keepdims=True)
    cb = codebook / codebook_norm
    similarity = jnp.einsum('btnd,cmd->btncm', x_feature, cb)  # [B, T, S, C, M]
    idx = jnp.argmax(similarity, axis=-1)  # [B, T, S, C]
    return idx

if __name__ == "__main__":
    import jax
    _d = setup_inputs()
    print(jax.jit(kernel)(*tuple(_d.values())))

</pallas_src>

<mosaic_0001>
module attributes {stable_mosaic.version = 14 : i64} {
  func.func @_mk(%arg0: i32, %arg1: memref<1024x768xf32, #tpu.memory_space<vmem>>, %arg2: memref<768x256xf32, #tpu.memory_space<vmem>>, %arg3: memref<1024x256xf32, #tpu.memory_space<vmem>>, %arg4: memref<1024x1xi32, #tpu.memory_space<vmem>>) attributes {dimension_semantics = [#tpu.dimension_semantics<arbitrary>], iteration_bounds = array<i64: 32>, scalar_prefetch = 0 : i64, scratch_operands = 0 : i64, tpu.core_type = #tpu.core_type<tc>, window_params = [{transform_indices = @transform_0, window_bounds = array<i64: 1024, 768>}, {pipeline_mode = #tpu.pipeline_mode<synchronous>, transform_indices = @transform_1, window_bounds = array<i64: 768, 256>}, {pipeline_mode = #tpu.pipeline_mode<synchronous>, transform_indices = @transform_2, window_bounds = array<i64: 1024, 256>}, {transform_indices = @transform_3, window_bounds = array<i64: 1024, 1>}]} {
    %get3A = arith.constant 0 : index
    %get3A_0 = arith.constant 0 : index
    %get3A_1 = vector.load %arg1[%get3A, %get3A_0] : memref<1024x768xf32, #tpu.memory_space<vmem>>, vector<1024x768xf32>
    %get3A_2 = arith.constant 0 : index
    %get3A_3 = arith.constant 0 : index
    %get3A_4 = vector.load %arg2[%get3A_2, %get3A_3] : memref<768x256xf32, #tpu.memory_space<vmem>>, vector<768x256xf32>
    %dot_general3A = arith.constant dense<0.000000e+00> : vector<1024x256xf32>
    %dot_general3A_5 = tpu.matmul %get3A_1, %get3A_4, %dot_general3A {dimension_numbers = #tpu.dot_dimension_numbers<[1], [0], [0], [1], [0, 0, 1, 1], [], []>, transpose_lhs_hint = false} : vector<1024x768xf32>, vector<768x256xf32>, vector<1024x256xf32> -> vector<1024x256xf32>
    %mul3A = arith.mulf %dot_general3A_5, %dot_general3A_5 : vector<1024x256xf32>
    %reduce_sum3A = arith.constant dense<0.000000e+00> : vector<1024xf32>
    %reduce_sum3A_6 = vector.multi_reduction <add>, %mul3A, %reduce_sum3A [1] : vector<1024x256xf32> to vector<1024xf32>
    %broadcast_in_dim3A = vector.shape_cast %reduce_sum3A_6 : vector<1024xf32> to vector<1024x1xf32>
    %sqrt3A = math.sqrt %broadcast_in_dim3A : vector<1024x1xf32>
    %div3A = vector.broadcast %sqrt3A : vector<1024x1xf32> to vector<1024x256xf32>
    %div3A_7 = arith.divf %dot_general3A_5, %div3A : vector<1024x256xf32>
    %get3A_8 = arith.constant 0 : index
    %get3A_9 = arith.constant 0 : index
    %get3A_10 = vector.load %arg3[%get3A_8, %get3A_9] : memref<1024x256xf32, #tpu.memory_space<vmem>>, vector<1024x256xf32>
    %dot_general3A_11 = arith.constant dense<0.000000e+00> : vector<1024x1024xf32>
    %dot_general3A_12 = tpu.matmul %div3A_7, %get3A_10, %dot_general3A_11 {dimension_numbers = #tpu.dot_dimension_numbers<[1], [1], [0], [0], [0, 0, 1, 0], [], []>, transpose_lhs_hint = false} : vector<1024x256xf32>, vector<1024x256xf32>, vector<1024x1024xf32> -> vector<1024x1024xf32>
    %iota3A = tpu.iota {dimensions = array<i32: 1>} : vector<1024x1024xi32>
    %reduce_max3A = arith.constant dense<0xFF800000> : vector<1024xf32>
    %reduce_max3A_13 = vector.multi_reduction <maximumf>, %dot_general3A_12, %reduce_max3A [1] : vector<1024x1024xf32> to vector<1024xf32>
    %broadcast_in_dim3A_14 = vector.shape_cast %reduce_max3A_13 : vector<1024xf32> to vector<1024x1xf32>
    %eq3A = vector.broadcast %broadcast_in_dim3A_14 : vector<1024x1xf32> to vector<1024x1024xf32>
    %eq3A_15 = arith.cmpf oeq, %dot_general3A_12, %eq3A : vector<1024x1024xf32>
    %jit3A = arith.constant 1024 : i32
    %broadcast_in_dim3A_16 = vector.broadcast %jit3A : i32 to vector<1024x1024xi32>
    %select_n3A = arith.select %eq3A_15, %iota3A, %broadcast_in_dim3A_16 : vector<1024x1024xi1>, vector<1024x1024xi32>
    %reduce_min3A = arith.constant dense<2147483647> : vector<1024xi32>
    %reduce_min3A_17 = vector.multi_reduction <minsi>, %select_n3A, %reduce_min3A [1] : vector<1024x1024xi32> to vector<1024xi32>
    %broadcast_in_dim3A_18 = vector.shape_cast %reduce_min3A_17 : vector<1024xi32> to vector<1024x1xi32>
    %swap3A = arith.constant 0 : index
    %swap3A_19 = arith.constant 0 : index
    %swap3A_20 = vector.load %arg4[%swap3A, %swap3A_19] : memref<1024x1xi32, #tpu.memory_space<vmem>>, vector<1024x1xi32>
    tpu.vector_store %arg4[%swap3A, %swap3A_19], %broadcast_in_dim3A_18 {strides = array<i32>} : memref<1024x1xi32, #tpu.memory_space<vmem>>, vector<1024x1xi32>,
    return
  }
  func.func @transform_0(%arg0: i32) -> (i32, i32) {
    %c0_i32 = arith.constant 0 : i32
    %c0_i32_0 = arith.constant 0 : i32
    return %arg0, %c0_i32 : i32, i32
  }
  func.func @transform_1(%arg0: i32) -> (i32, i32) {
    %c0_i32 = arith.constant 0 : i32
    %c0_i32_0 = arith.constant 0 : i32
    %c0_i32_1 = arith.constant 0 : i32
    return %c0_i32, %c0_i32_0 : i32, i32
  }
  func.func @transform_2(%arg0: i32) -> (i32, i32) {
    %c0_i32 = arith.constant 0 : i32
    %c0_i32_0 = arith.constant 0 : i32
    %c0_i32_1 = arith.constant 0 : i32
    return %c0_i32, %c0_i32_0 : i32, i32
  }
  func.func @transform_3(%arg0: i32) -> (i32, i32) {
    %c0_i32 = arith.constant 0 : i32
    %c0_i32_0 = arith.constant 0 : i32
    return %arg0, %c0_i32 : i32, i32
  }
}

</mosaic_0001>

<sc_bundles>
// kernel: sparse-core-data-format-call.1.cloned.1.call-start
scs
called_computation.1_lowered:
.L_overlay_start_0:
0x0: {  	s1 =	sld [smem:$0x3FD9]  }
0x1: {  	s2 =	sld [smem:$0x3FFE];
	_ =	sdelay $0x1  }
0x2: {  	s3 =	srdreg.scid  }
0x3: {  	s0 =	sand.u32 $0x1, s3  }
0x4: {  	s17 =	sshll.u32 s0, $0xA;
	s1 =	sadd.s32 s2, s1  }
0x5: {  	s1 =	sadd.s32 s1, s17  }
0x6: {  	[smem:$0x3FC4] =	sst s1  }
0x7: {  	_ = 	snop  }
0x8: {  	(tm) =	ssettm $0x1  }
0x9: {  	s18 =	sld [smem:$0x3FFB];
	_ =	sdelay $0x3  }
0xa: {  	_ =	strace s18  }
0xb: {  	s1 =	sld [smem:$0x3FFC];
	_ =	sdelay $0x3  }
0xc: {  	_ =	strace s1  }
0xd: {  	s1 =	sld [smem:$0x3FFD];
	_ =	sdelay $0x3  }
0xe: {  	_ =	strace s1  }
0xf: {  	_ =	strace $0x8FFFFFFF  }
0x10: {  	s19 =	sld [smem:$0x3FDB];
	_ =	sdelay $0x1  }
0x11: {  	s20 =	simm.s32 $_scs_section_size  }
0x12: {  	s4 =	simm.s32 $_size__tile_overlayer_lowered;
	s5 =	simm.s32 $_tile_overlayer_lowered  }
0x13: {  	s23 =	simm.s32 $0x1BFF;
	s22 =	sshll.u32 s5, $0x1;
	s1 =	sadd.s32 s20, s19  }
0x14: {  	s6 =	simm.s32 $0x0;
	s21 =	sshll.u32 s4, $0x1;
	s4 =	sadd.s32 s22, s1  }
0x15: {  	[timem:s6], [sflag:s23] =	dma.local [hbm:s4], s21  }
0x16: {  	_ =	swait.ge [sflag:s23], s21  }
0x17: {  	s2 =	ssub.s32 $0x0, s21;
	[sflag:s23] =	ssyncset.done $0x0  }
0x18: {  	[sflag:s23] =	ssyncadd.s32 s2;
	_ =	sdelay $0x1  }
0x19: {  	s24 =	simm.s32 $0x1B8B  }
0x1a: {  	_ =	swait.ge [sflag:s24], $0x1  }
0x1b: {  	[sflag:s24] =	ssyncset.done $0x0  }
0x1c: {  	s26 =	simm.s32 $0x1B8E;
	s25 =	sld [smem:$0x3FFE];
	[sflag:s24] =	ssyncadd.s32 $0xFFFFFFFF  }
0x1d: {  	s27 =	simm.s32 $execute0_lowered;
	[smem:$0x3FD2] =	sst s26  }
0x1e: {  	s4 =	sshll.u32 s27, $0x1;
	_ =	strace $0x80000046;
	[dreg:$0x1] =	wrdreg $0xFFFFFFFF  }
0x1f: {  	s28 =	simm.s32 $_size_execute0_lowered;
	s1 =	sadd.s32 s1, s4;
	[dreg:$0x0] =	wrdreg $0x0  }
0x20: {  	s4 =	sshll.u32 s28, $0x1;
	[dreg:$0x2] =	wrdreg s1  }
0x21: {  	[dreg:$0x3] =	wrdreg s4  }
0x22: {  	[dreg:$0x4] =	wrdreg $0xC0  }
0x23: {  	_ =	task [dreg:s6], $0x5FFFF  }
0x24: {  	[dreg:$0x1] =	wrdreg $0xFFFFFFFF  }
0x25: {  	[dreg:$0x0] =	wrdreg $0x60  }
0x26: {  	[dreg:$0x2] =	wrdreg s25  }
0x27: {  	[dreg:$0x3] =	wrdreg $0x9  }
0x28: {  	_ =	task.clear_ibuf [dreg:s6], $0x4FFFF;
	_ =	strace $0x90000046  }
0x29: {  	s29 =	simm.s32 $0x9;
	_ =	strace $0x80000048  }
0x2a: {  	_ =	swait.ge [sflag:s29], $0x1  }
0x2b: {  	[sflag:s29] =	ssyncadd.s32 $0xFFFFFFFF  }
0x2c: {  	_ =	strace $0x90000048  }
0x2d: {  	_ =	sfence  }
0x2e: {  	s30 =	sld [smem:$0x0];
	_ =	sdelay $0x2  }
0x2f: {  	s31 =	sshll.u32 s3, $0xD;
	s3 =	sshrl.u32 s3, $0x2  }
0x30: {  	s2 =	sand.u32 $0x4000, s31;
	s1 =	sadd.s32 s3, s30  }
0x31: {  	s0 =	sor.u32 s2, s0;
	s1 =	sshll.u32 s1, $0x11  }
0x32: {  	s0 =	sor.u32 s1, s0  }
0x33: {  	s0 =	sadd.s32 $0x8F2B, s0  }
0x34: {  	[sflag:s0] =	ssyncadd.remote.s32 $0x1  }
0x35: {  	_ =	sfence.sel $0xFFFF  }
0x36: {  	[dreg:$0x0] =	wrdreg $0xFFFFFFFF;
	(pc) =	sbr.abs _section_cstart, $3  }
0x37: {  	[dreg:$0x1] =	wrdreg $0xFFFFFFFF  }
0x38: {  	_ =	task.clear_ibuf [dreg:s6], $0x2FFFF;
	_ =	strace $0x9FFFFFFF  }
0x39: {  	(tm) =	ssettm $0x7FFFFFFF  }
tec
execute0_lowered:
.L_overlay_start_1:
0x0: {  	(tag) =	ssettag $0x1  }
0x1: {  	s0 =	srdreg.scid  }
0x2: {  	s2 =	rddreg [dreg:$0x0];
	s9 =	simm.s32 $0x2;
	s17 =	simm.s32 $0x0  }
0x3: {  	s10 =	simm.s32 $0x2000;
	s11 =	simm.s32 $0x0;
	s18 =	simm.s32 $0x0  }
0x4: {  	s19 =	simm.s32 $0x0;
	s20 =	simm.s32 $0x0;
	s0 =	sshll.u32 s0, $0x7  }
0x5: {  	s13 =	simm.s32 $0x0;
	s16 =	simm.s32 $0x0;
	s1 =	sand.u32 $0x80, s0  }
0x6: {  	s3 =	sadd.s32 $0x72B000, s2;
	s4 =	sadd.s32 $0x42B000, s2;
	s5 =	ssub.s32 $0x800, s1  }
0x7: {  	s2 =	stileid.u32;
	s0 =	rddreg [dreg:$0x1];
	s6 =	sshrl.u32 s5, $0x7  }
.Ltmp0:
0x8: {  	s7 =	sshrl.u32 s5, $0x8;
	s6 =	sand.u32 $0x1, s6;
	(pc) =	sbr.rel .LBB1_1-.Ltmp0, $4  }
0x9: {  	_ =	strace $0x80000047;
	s8 =	sshrl.u32 s2, $0x2;
	s6 =	sadd.s32 s7, s6  }
0xa: {  	s12 =	smov.u32 s1;
	s5 =	simm.s32 $0x1;
	s6 =	smul.u32 $0x6, s6  }
0xb: {  	s14 =	smov.u32 s8;
	[sflag:s5] =	ssyncpa.u1 $0x0;
	s7 =	sand.u32 $0x3, s2  }
0xc: {  	[sflag:s9] =	ssyncpa.u1 $0x0;
	s15 =	smov.u32 s7;
	s9 =	sor.u32 $0x1, s6  }
.LBB1_4:
0xd: {  	_ =	sdelay $0x3  }
0xe: {  	[tilespmem:v0+s23+$0xFFFFFFA0 ss:$0x1] =	vst.idx.msk $0xffff, v6  }
0xf: {  	v56 =	vld.idx.msk [tilespmem:v1+s22+$0x30 ss:$0x1], $0xffff;
	[tilespmem:v0+s23+$0xFFFFFFB0 ss:$0x1] =	vst.idx.msk $0xffff, v4  }
0x10: {  	v57 =	vld.idx.msk [tilespmem:v1+s22+$0xFFFFFFC0 ss:$0x1], $0xffff;
	[tilespmem:v0+s23+$0xFFFFFFC0 ss:$0x1] =	vst.idx.msk $0xffff, v2  }
0x11: {  	v58 =	vld.idx.msk [tilespmem:v1+s22+$0xFFFFFFD0 ss:$0x1], $0xffff;
	[tilespmem:v0+s23+$0xFFFFFFD0 ss:$0x1] =	vst.idx.msk $0xffff, v3  }
0x12: {  	v59 =	vld.idx.msk [tilespmem:v1+s22+$0xFFFFFFE0 ss:$0x1], $0xffff;
	[tilespmem:v0+s23+$0xFFFFFFE0 ss:$0x1] =	vst.idx.msk $0xffff, v5  }
0x13: {  	v60 =	vld.idx.msk [tilespmem:v1+s22+$0xFFFFFFF0 ss:$0x1], $0xffff;
	[tilespmem:v0+s23+$0xFFFFFFF0 ss:$0x1] =	vst.idx.msk $0xffff, v7  }
0x14: {  	v61 =	vld.idx.msk [tilespmem:v1+s22+$0x0 ss:$0x1], $0xffff;
	[tilespmem:v0+s22+$0x0 ss:$0x1] =	vst.idx.msk $0xffff, v56  }
0x15: {  	s20 =	sshll.u32 s20, $0x7;
	v62 =	vld.idx.msk [tilespmem:v1+s22+$0x10 ss:$0x1], $0xffff;
	s27 =	sand.u32 $0x78, s17;
	[tilespmem:v0+s22+$0xFFFFFF90 ss:$0x1] =	vst.idx.msk $0xffff, v57  }
0x16: {  	s24 =	sshll.u32 s17, $0x2;
	v63 =	vld.idx.msk [tilespmem:v1+s22+$0x20 ss:$0x1], $0xffff;
	s19 =	smul.u32 $0xC0000, s19;
	s18 =	sshll.u32 s18, $0xA;
	[tilespmem:v0+s22+$0xFFFFFFA0 ss:$0x1] =	vst.idx.msk $0xffff, v58  }
0x17: {  	s29 =	sshrl.u32 s17, $0x1;
	s30 =	sand.u32 $0x7, s17;
	s20 =	sand.u32 $0x180, s20;
	[tilespmem:v0+s22+$0xFFFFFFB0 ss:$0x1] =	vst.idx.msk $0xffff, v59  }
0x18: {  	s28 =	sand.u32 $0x600, s24;
	s20 =	sor.u32 s20, s27;
	s19 =	sadd.s32 s4, s19;
	[tilespmem:v0+s22+$0xFFFFFFC0 ss:$0x1] =	vst.idx.msk $0xffff, v60  }
0x19: {  	s23 =	sand.u32 $0x300, s29;
	s20 =	sor.u32 s28, s20;
	s18 =	sadd.s32 s18, s19;
	[tilespmem:v0+s22+$0xFFFFFFD0 ss:$0x1] =	vst.idx.msk $0xffff, v61  }
0x1a: {  	s17 =	sshll.u32 s30, $0x12;
	s31 =	sshrl.u32 s20, $0x3;
	s18 =	sadd.s32 s23, s18;
	[tilespmem:v0+s22+$0xFFFFFFE0 ss:$0x1] =	vst.idx.msk $0xffff, v62  }
0x1b: {  	s17 =	sor.u32 $0x80, s17;
	[tilespmem:v0+s22+$0xFFFFFFF0 ss:$0x1] =	vst.idx.msk $0xffff, v63;
	s18 =	sadd.s32 s31, s18  }
0x1c: {  	[hbm4b:s18+s17] =	stream.strided.scatter [tilespmem:s21], [sflag:$0x2], $0x4000, s10, s17, $0x38;
	[tilespmem:$0x10000] =	vst v63  }
.LBB1_5:
0x1d: {  	s21 =	sadd.s32 $0x100, s12  }
0x1e: {  	s17 =	sadd.s32 $0x80, s13;
	s22 =	smov.u32 s13;
	p1 =	sgt.s32 s21, $0x7FF  }
0x1f: {  	s22 =	smov.u32 @p1 s17  }
0x20: {  	s23 =	smov.u32 s14;
	s17 =	sadd.s32 $0x4, s14;
	p2 =	sgt.s32 s22, $0x2FF  }
0x21: {  	s23 =	smov.u32 @p2 s17  }
0x22: {  	s24 =	smov.u32 s15;
	s17 =	sadd.s32 $0x4, s15;
	p3 =	sgt.s32 s23, $0x3  }
0x23: {  	p0 =	slt.u32 s16, $0x2;
	s24 =	smov.u32 @p3 s17  }
0x24: {  	s18 =	smov.u32 s13;
	s21 =	smov.u32 @p1 s1;
	p1 =	sgt.s32 s24, $0x3  }
0x25: {  	s25 =	simm.s32 @!p0 $0x2;
	s24 =	smov.u32 @p1 s7;
	p1 =	sne.s32 s16, s9  }
.Ltmp1:
0x26: {  	s19 =	smov.u32 s14;
	_ =	swait.ge @!p0 [sflag:s25], $0x4000;
	(pc) =	sbr.rel @!p1 .LBB1_6-.Ltmp1, $4  }
0x27: {  	s20 =	smov.u32 s15;
	[sflag:s25] =	ssyncset.done @!p0 $0x0;
	s22 =	simm.s32 @p2 $0x0  }
0x28: {  	s11 =	sadd.s32 $0x4000, s11;
	[sflag:s25] =	ssyncadd.s32 @!p0 $0xFFFFC000;
	s13 =	smov.u32 s22  }
0x29: {  	s23 =	smov.u32 @p3 s8;
	s17 =	smov.u32 s12;
	s12 =	smov.u32 s21  }
0x2a: {  	s14 =	smov.u32 s23;
	s16 =	sadd.s32 $0x1, s16;
	s15 =	smov.u32 s24  }
.LBB1_1:
0x2b: {  	p0 =	sge.u32 s16, s6  }
0x2c: {  	s21 =	sshll.u32 @!p0 s13, $0xB  }
0x2d: {  	s22 =	sshll.u32 @!p0 s12, $0x3;
	s21 =	sand.u32 @!p0 $0xFFFFC000, s21  }
0x2e: {  	s21 =	sadd.s32 @!p0 s21, s22  }
0x2f: {  	s25 =	sshll.u32 @!p0 s13, $0x7;
	s21 =	sshrl.u32 @!p0 s21, $0xB  }
0x30: {  	s26 =	sand.u32 @!p0 $0x78, s12;
	s25 =	sand.u32 @!p0 $0x380, s25;
	s23 =	smulhi.u32 @!p0 $0x555556, s21  }
0x31: {  	s31 =	sadd.s32 $0xFFFFFFFF, s16;
	s25 =	sor.u32 @!p0 s25, s26;
	s26 =	smul.u32 @!p0 $0xC0000, s15  }
0x32: {  	s24 =	sxor.u32 @!p0 $0xFFFFFFFF, s16;
	s22 =	sand.u32 @!p0 $0x400, s22;
	s23 =	smul.u32 @!p0 $0x300, s23  }
0x33: {  	s24 =	sshll.u32 @!p0 s24, $0xE;
	s22 =	sor.u32 @!p0 s22, s25;
	s25 =	smul.u32 @!p0 $0x30000, s14  }
0x34: {  	s21 =	ssub.s32 @!p0 s21, s23;
	s23 =	sand.u32 @!p0 $0x4000, s24;
	s24 =	sadd.s32 @!p0 s3, s26  }
0x35: {  	s22 =	sshrl.u32 @!p0 s22, $0x3;
	s24 =	sadd.s32 @!p0 s25, s24;
	s25 =	sand.u32 @!p0 $0x7, s12  }
0x36: {  	s21 =	sshll.u32 @!p0 s21, $0x8;
	s22 =	sadd.s32 @!p0 s22, s24;
	s24 =	sshll.u32 @!p0 s25, $0x12  }
0x37: {  	s21 =	sadd.s32 @!p0 s21, s22;
	s22 =	sor.u32 @!p0 $0x400, s24;
	s24 =	simm.s32 @!p0 $0x4000  }
0x38: {  	[tilespmem:s23], [sflag:$0x1] =	stream.strided.gather @!p0 [hbm4b:s21+s22], $0x4000, s24, s22, $0x38;
	[tilespmem:$0x10000] =	vst v63  }
0x39: {  	p0 =	sge.u32 s31, s6  }
.Ltmp2:
0x3a: {  	_ = 	snop;
	(pc) =	sbr.rel @p0 .LBB1_5-.Ltmp2, $1  }
0x3b: {  	_ =	sdelay $0x3  }
0x3c: {  	s21 =	sand.u32 $0x4000, s11  }
0x3d: {  	s22 =	sor.u32 $0x40, s21  }
0x3e: {  	v1 =	vmov s22;
	_ =	sdelay $0x1  }
0x3f: {  	_ =	swait.ge [sflag:s5], $0x4000  }
0x40: {  	[sflag:s5] =	ssyncset.done $0x0  }
0x41: {  	s23 =	simm.s32 $0x0;
	[sflag:s5] =	ssyncadd.s32 $0xFFFFC000  }
0x42: {  	s21 =	sor.u32 $0x8070, s21;
	v7 =	vld.idx.msk [tilespmem:v1+s23+$0x30 ss:$0x1], $0xffff  }
0x43: {  	v0 =	vmov s21;
	v8 =	vld.idx.msk [tilespmem:v1+s23+$0xFFFFFFC0 ss:$0x1], $0xffff  }
0x44: {  	v6 =	vld.idx.msk [tilespmem:v1+s23+$0xFFFFFFD0 ss:$0x1], $0xffff  }
0x45: {  	v4 =	vld.idx.msk [tilespmem:v1+s23+$0xFFFFFFE0 ss:$0x1], $0xffff  }
0x46: {  	v2 =	vld.idx.msk [tilespmem:v1+s23+$0xFFFFFFF0 ss:$0x1], $0xffff  }
0x47: {  	s31 =	sshll.u32 s16, $0xE;
	v3 =	vld.idx.msk [tilespmem:v1+s23+$0x0 ss:$0x1], $0xffff  }
0x48: {  	s21 =	sand.u32 $0x4000, s31;
	v5 =	vld.idx.msk [tilespmem:v1+s23+$0x10 ss:$0x1], $0xffff;
	[tilespmem:v0+s23+$0x0 ss:$0x1] =	vst.idx.msk $0xffff, v7  }
0x49: {  	s24 =	simm.s32 $0x400;
	s22 =	simm.s32 $0x80;
	s21 =	sor.u32 $0x8000, s21;
	[tilespmem:v0+s23+$0xFFFFFF90 ss:$0x1] =	vst.idx.msk $0xffff, v8;
	v7 =	vld.idx.msk [tilespmem:v1+s23+$0x20 ss:$0x1], $0xffff  }
.LBB1_3:
0x4a: {  	p0 =	sne.s32 s24, $0xFE00;
	v8 =	vld.idx.msk [tilespmem:v1+s22+$0x30 ss:$0x1], $0xffff;
	[tilespmem:v0+s23+$0xFFFFFFA0 ss:$0x1] =	vst.idx.msk $0xffff, v6  }
0x4b: {  	v9 =	vld.idx.msk [tilespmem:v1+s22+$0xFFFFFFC0 ss:$0x1], $0xffff;
	[tilespmem:v0+s23+$0xFFFFFFB0 ss:$0x1] =	vst.idx.msk $0xffff, v4  }
0x4c: {  	v6 =	vld.idx.msk [tilespmem:v1+s22+$0xFFFFFFD0 ss:$0x1], $0xffff;
	[tilespmem:v0+s23+$0xFFFFFFC0 ss:$0x1] =	vst.idx.msk $0xffff, v2  }
.Ltmp3:
0x4d: {  	v4 =	vld.idx.msk [tilespmem:v1+s22+$0xFFFFFFE0 ss:$0x1], $0xffff;
	[tilespmem:v0+s23+$0xFFFFFFD0 ss:$0x1] =	vst.idx.msk $0xffff, v3;
	(pc) =	sbr.rel @p0 .LBB1_3-.Ltmp3, $4  }
0x4e: {  	v2 =	vld.idx.msk [tilespmem:v1+s22+$0xFFFFFFF0 ss:$0x1], $0xffff;
	[tilespmem:v0+s23+$0xFFFFFFE0 ss:$0x1] =	vst.idx.msk $0xffff, v5  }
0x4f: {  	v3 =	vld.idx.msk [tilespmem:v1+s22+$0x0 ss:$0x1], $0xffff;
	[tilespmem:v0+s23+$0xFFFFFFF0 ss:$0x1] =	vst.idx.msk $0xffff, v7;
	s23 =	smov.u32 s22  }
0x50: {  	v5 =	vld.idx.msk [tilespmem:v1+s23+$0x10 ss:$0x1], $0xffff;
	[tilespmem:v0+s23+$0x0 ss:$0x1] =	vst.idx.msk $0xffff, v8  }
0x51: {  	s22 =	sshra.s32 s24, $0x2;
	s24 =	sadd.s32 $0x200, s24;
	[tilespmem:v0+s23+$0xFFFFFF90 ss:$0x1] =	vst.idx.msk $0xffff, v9;
	v7 =	vld.idx.msk [tilespmem:v1+s23+$0x20 ss:$0x1], $0xffff  }
.Ltmp4:
0x52: {  	_ = 	snop;
	(pc) =	sbr.rel .LBB1_4-.Ltmp4, $1  }
0x53: {  	_ =	sdelay $0x3  }
.LBB1_6:
0x54: {  	_ =	sfence.sel $0x180000  }
0x55: {  	s1 =	simm.s32 $0x1;
	[bflag:$0x0] =	sbarrier.arrive $0xFFFF  }
0x56: {  	s31 =	simm.s32 $0x2;
	[sflag:s1] =	ssyncpa.u1 $0x1  }
0x57: {  	[sflag:s31] =	ssyncpa.u1 $0x1  }
0x58: {  	p0 =	sne.s32 s2, $0x0;
	_ =	strace $0x90000047  }
0x59: {  	s0 =	sadd.s32 @!p0 $0x100000, s0;
	[bflag:$0x2] =	sbarrier.arrive $0xFFFF  }
0x5a: {  	[sflag:s0] =	ssyncadd.tile.s32 @!p0 $0x1;
	_ =	shalt  }
.Lfunc_end1:
_tile_overlayer_lowered:
.L_overlay_start_2:
0x5b: {  	(tag) =	ssettag $0x2  }
0x5c: {  	s0 =	rddreg [dreg:$0x0];
	s2 =	stileid.u32  }
0x5d: {  	s1 =	rddreg [dreg:$0x1];
	p0 =	sne.s32 s2, $0x0  }
0x5e: {  	s3 =	rddreg [dreg:$0x2];
	[bflag:$0x3] =	sbarrier.arrive $0xFFFF;
	s2 =	simm.s32 @!p0 $0x1C01  }
0x5f: {  	[timem:s3], [sflag:s2] =	dma.local @!p0 [hbm:s0], s1  }
0x60: {  	s0 =	simm.s32 @!p0 $0x1  }
0x61: {  	_ =	swait.ge @!p0 [sflag:s0], s1  }
0x62: {  	s1 =	ssub.s32 @!p0 $0x0, s1;
	[sflag:s0] =	ssyncset.done @!p0 $0x0  }
0x63: {  	[sflag:s0] =	ssyncadd.s32 @!p0 s1  }
0x64: {  	[bflag:$0x3] =	sbarrier.arrive $0xFFFF  }
0x65: {  	_ =	shalt  }

// kernel: sparse-core-data-format-call.2.cloned.1.call-start
scs
called_computation.2_lowered:
.L_overlay_start_0:
0x0: {  	s2 =	sld [smem:$0x3FD9]  }
0x1: {  	s3 =	sld [smem:$0x3FFE];
	_ =	sdelay $0x1  }
0x2: {  	s1 =	srdreg.scid  }
0x3: {  	s0 =	sand.u32 $0x1, s1  }
0x4: {  	s18 =	sshll.u32 s0, $0xA;
	s2 =	sadd.s32 s3, s2  }
0x5: {  	s2 =	sadd.s32 s2, s18  }
0x6: {  	[smem:$0x3FC4] =	sst s2  }
0x7: {  	_ = 	snop  }
0x8: {  	(tm) =	ssettm $0x1  }
0x9: {  	s19 =	sld [smem:$0x3FFB];
	_ =	sdelay $0x3  }
0xa: {  	_ =	strace s19  }
0xb: {  	s2 =	sld [smem:$0x3FFC];
	_ =	sdelay $0x3  }
0xc: {  	_ =	strace s2  }
0xd: {  	s2 =	sld [smem:$0x3FFD];
	_ =	sdelay $0x3  }
0xe: {  	_ =	strace s2  }
0xf: {  	_ =	strace $0x8FFFFFFF  }
0x10: {  	s20 =	sld [smem:$0x3FDB];
	_ =	sdelay $0x1  }
0x11: {  	s21 =	simm.s32 $_scs_section_size  }
0x12: {  	s4 =	simm.s32 $_size__tile_overlayer_lowered;
	s5 =	simm.s32 $_tile_overlayer_lowered  }
0x13: {  	s6 =	simm.s32 $0x1BFF;
	s22 =	sshll.u32 s5, $0x1;
	s3 =	sadd.s32 s21, s20  }
0x14: {  	s23 =	simm.s32 $0x0;
	s4 =	sshll.u32 s4, $0x1;
	s5 =	sadd.s32 s22, s3  }
0x15: {  	[timem:s23], [sflag:s6] =	dma.local [hbm:s5], s4  }
0x16: {  	_ =	swait.ge [sflag:s6], s4  }
0x17: {  	s4 =	ssub.s32 $0x0, s4;
	[sflag:s6] =	ssyncset.done $0x0  }
0x18: {  	[sflag:s6] =	ssyncadd.s32 s4;
	_ =	sdelay $0x1  }
0x19: {  	s24 =	simm.s32 $0x1B8B  }
0x1a: {  	_ =	swait.ge [sflag:s24], $0x1  }
0x1b: {  	[sflag:s24] =	ssyncset.done $0x0  }
0x1c: {  	[sflag:s24] =	ssyncadd.s32 $0xFFFFFFFF  }
0x1d: {  	s4 =	sld [smem:$0x0]  }
0x1e: {  	s5 =	sand.u32 $0xFFFFFFFE, s1  }
0x1f: {  	p0 =	sne.s32 s1, s5  }
0x20: {  	s5 =	sshll.u32 @p0 s5, $0xE  }
0x21: {  	s5 =	sadd.s32 @p0 $0x11B8D, s5;
	s6 =	sshll.u32 @p0 s4, $0x11  }
0x22: {  	s5 =	sor.u32 @p0 s6, s5  }
0x23: {  	[sflag:s5] =	ssyncadd.remote.s32 @p0 $0x1;
	_ =	sdelay $0x1  }
0x24: {  	s5 =	simm.s32 @p0 $0x1B8D  }
0x25: {  	_ =	swait.eq @p0 [sflag:s5], $0x1  }
0x26: {  	[sflag:s5] =	ssyncadd.s32 @p0 $0xFFFFFFFF  }
0x27: {  	s6 =	sshll.u32 @!p0 s1, $0xE  }
0x28: {  	s6 =	sor.u32 @!p0 $0x4000, s6;
	s5 =	simm.s32 @!p0 $0x1B8D  }
0x29: {  	s4 =	sshll.u32 @!p0 s4, $0x11;
	s6 =	sadd.s32 @!p0 $0x11B8D, s6;
	_ =	swait.eq @!p0 [sflag:s5], $0x1  }
0x2a: {  	s4 =	sor.u32 @!p0 s4, s6;
	[sflag:s5] =	ssyncadd.s32 @!p0 $0xFFFFFFFF  }
0x2b: {  	s26 =	simm.s32 $0x1B8E;
	s25 =	sld [smem:$0x3FFE];
	[sflag:s4] =	ssyncadd.remote.s32 @!p0 $0x1  }
0x2c: {  	s27 =	simm.s32 $execute0_lowered;
	[smem:$0x3FD2] =	sst s26  }
0x2d: {  	s5 =	sshll.u32 s27, $0x1;
	_ =	strace $0x80000049;
	[dreg:$0x1] =	wrdreg $0xFFFFFFFF  }
0x2e: {  	s28 =	simm.s32 $_size_execute0_lowered;
	s3 =	sadd.s32 s3, s5;
	[dreg:$0x0] =	wrdreg $0x0  }
0x2f: {  	s5 =	sshll.u32 s28, $0x1;
	[dreg:$0x2] =	wrdreg s3  }
0x30: {  	[dreg:$0x3] =	wrdreg s5  }
0x31: {  	[dreg:$0x4] =	wrdreg $0xC0  }
0x32: {  	_ =	task [dreg:s23], $0x5FFFF  }
0x33: {  	[dreg:$0x1] =	wrdreg $0xFFFFFFFF  }
0x34: {  	[dreg:$0x0] =	wrdreg $0x60  }
0x35: {  	[dreg:$0x2] =	wrdreg s25  }
0x36: {  	[dreg:$0x3] =	wrdreg $0xA  }
0x37: {  	_ =	task.clear_ibuf [dreg:s23], $0x4FFFF;
	_ =	strace $0x90000049  }
0x38: {  	s29 =	simm.s32 $0xA;
	_ =	strace $0x8000004B  }
0x39: {  	_ =	swait.ge [sflag:s29], $0x1  }
0x3a: {  	[sflag:s29] =	ssyncadd.s32 $0xFFFFFFFF  }
0x3b: {  	_ =	strace $0x9000004B  }
0x3c: {  	_ =	sfence  }
0x3d: {  	s30 =	sld [smem:$0x0];
	_ =	sdelay $0x2  }
0x3e: {  	s31 =	sshll.u32 s1, $0xD;
	s1 =	sshrl.u32 s1, $0x2  }
0x3f: {  	s4 =	sand.u32 $0x4000, s31;
	s1 =	sadd.s32 s1, s30  }
0x40: {  	s0 =	sor.u32 s4, s0;
	s1 =	sshll.u32 s1, $0x11  }
0x41: {  	s0 =	sor.u32 s1, s0  }
0x42: {  	s0 =	sadd.s32 $0x8F2B, s0  }
0x43: {  	[sflag:s0] =	ssyncadd.remote.s32 $0x1  }
0x44: {  	_ =	sfence.sel $0xFFFF  }
0x45: {  	[dreg:$0x0] =	wrdreg $0xFFFFFFFF;
	(pc) =	sbr.abs _section_cstart, $3  }
0x46: {  	[dreg:$0x1] =	wrdreg $0xFFFFFFFF  }
0x47: {  	_ =	task.clear_ibuf [dreg:s23], $0x2FFFF;
	_ =	strace $0x9FFFFFFF  }
0x48: {  	(tm) =	ssettm $0x7FFFFFFF  }
0x49: {  	_ =	shalt  }
tec
execute0_lowered:
.L_overlay_start_1:
0x0: {  	(tag) =	ssettag $0x1  }
0x1: {  	s0 =	srdreg.scid  }
0x2: {  	s2 =	rddreg [dreg:$0x0];
	s9 =	simm.s32 $0x2;
	s17 =	simm.s32 $0x0  }
0x3: {  	s10 =	simm.s32 $0x2000;
	s11 =	simm.s32 $0x0;
	s18 =	simm.s32 $0x0  }
0x4: {  	s19 =	simm.s32 $0x0;
	s20 =	simm.s32 $0x0;
	s0 =	sshll.u32 s0, $0x7  }
0x5: {  	s13 =	simm.s32 $0x0;
	s16 =	simm.s32 $0x0;
	s1 =	sand.u32 $0x80, s0  }
0x6: {  	s3 =	sadd.s32 $0xA2B000, s2;
	s4 =	sadd.s32 $0x5000, s2;
	s5 =	ssub.s32 $0x800, s1  }
0x7: {  	s2 =	stileid.u32;
	s0 =	rddreg [dreg:$0x1];
	s6 =	sshrl.u32 s5, $0x7  }
.Ltmp0:
0x8: {  	s7 =	sshrl.u32 s5, $0x8;
	s6 =	sand.u32 $0x1, s6;
	(pc) =	sbr.rel .LBB1_1-.Ltmp0, $4  }
0x9: {  	_ =	strace $0x8000004A;
	s8 =	sshrl.u32 s2, $0x2;
	s6 =	sadd.s32 s7, s6  }
0xa: {  	s12 =	smov.u32 s1;
	s5 =	simm.s32 $0x1;
	s6 =	smul.u32 $0x6, s6  }
0xb: {  	s14 =	smov.u32 s8;
	[sflag:s5] =	ssyncpa.u1 $0x0;
	s7 =	sand.u32 $0x3, s2  }
0xc: {  	[sflag:s9] =	ssyncpa.u1 $0x0;
	s15 =	smov.u32 s7;
	s9 =	sor.u32 $0x1, s6  }
.LBB1_4:
0xd: {  	_ =	sdelay $0x3  }
0xe: {  	[tilespmem:v0+s23+$0xFFFFFFA0 ss:$0x1] =	vst.idx.msk $0xffff, v6  }
0xf: {  	v56 =	vld.idx.msk [tilespmem:v1+s22+$0x30 ss:$0x1], $0xffff;
	[tilespmem:v0+s23+$0xFFFFFFB0 ss:$0x1] =	vst.idx.msk $0xffff, v4  }
0x10: {  	v57 =	vld.idx.msk [tilespmem:v1+s22+$0xFFFFFFC0 ss:$0x1], $0xffff;
	[tilespmem:v0+s23+$0xFFFFFFC0 ss:$0x1] =	vst.idx.msk $0xffff, v2  }
0x11: {  	v58 =	vld.idx.msk [tilespmem:v1+s22+$0xFFFFFFD0 ss:$0x1], $0xffff;
	[tilespmem:v0+s23+$0xFFFFFFD0 ss:$0x1] =	vst.idx.msk $0xffff, v3  }
0x12: {  	v59 =	vld.idx.msk [tilespmem:v1+s22+$0xFFFFFFE0 ss:$0x1], $0xffff;
	[tilespmem:v0+s23+$0xFFFFFFE0 ss:$0x1] =	vst.idx.msk $0xffff, v5  }
0x13: {  	v60 =	vld.idx.msk [tilespmem:v1+s22+$0xFFFFFFF0 ss:$0x1], $0xffff;
	[tilespmem:v0+s23+$0xFFFFFFF0 ss:$0x1] =	vst.idx.msk $0xffff, v7  }
0x14: {  	v61 =	vld.idx.msk [tilespmem:v1+s22+$0x0 ss:$0x1], $0xffff;
	[tilespmem:v0+s22+$0x0 ss:$0x1] =	vst.idx.msk $0xffff, v56  }
0x15: {  	s20 =	sshll.u32 s20, $0x7;
	v62 =	vld.idx.msk [tilespmem:v1+s22+$0x10 ss:$0x1], $0xffff;
	s27 =	sand.u32 $0x78, s17;
	[tilespmem:v0+s22+$0xFFFFFF90 ss:$0x1] =	vst.idx.msk $0xffff, v57  }
0x16: {  	s24 =	sshll.u32 s17, $0x2;
	v63 =	vld.idx.msk [tilespmem:v1+s22+$0x20 ss:$0x1], $0xffff;
	s19 =	smul.u32 $0xC0000, s19;
	s18 =	sshll.u32 s18, $0xA;
	[tilespmem:v0+s22+$0xFFFFFFA0 ss:$0x1] =	vst.idx.msk $0xffff, v58  }
0x17: {  	s29 =	sshrl.u32 s17, $0x1;
	s30 =	sand.u32 $0x7, s17;
	s20 =	sand.u32 $0x180, s20;
	[tilespmem:v0+s22+$0xFFFFFFB0 ss:$0x1] =	vst.idx.msk $0xffff, v59  }
0x18: {  	s28 =	sand.u32 $0x600, s24;
	s20 =	sor.u32 s20, s27;
	s19 =	sadd.s32 s4, s19;
	[tilespmem:v0+s22+$0xFFFFFFC0 ss:$0x1] =	vst.idx.msk $0xffff, v60  }
0x19: {  	s23 =	sand.u32 $0x300, s29;
	s20 =	sor.u32 s28, s20;
	s18 =	sadd.s32 s18, s19;
	[tilespmem:v0+s22+$0xFFFFFFD0 ss:$0x1] =	vst.idx.msk $0xffff, v61  }
0x1a: {  	s17 =	sshll.u32 s30, $0x12;
	s31 =	sshrl.u32 s20, $0x3;
	s18 =	sadd.s32 s23, s18;
	[tilespmem:v0+s22+$0xFFFFFFE0 ss:$0x1] =	vst.idx.msk $0xffff, v62  }
0x1b: {  	s17 =	sor.u32 $0x80, s17;
	[tilespmem:v0+s22+$0xFFFFFFF0 ss:$0x1] =	vst.idx.msk $0xffff, v63;
	s18 =	sadd.s32 s31, s18  }
0x1c: {  	[hbm4b:s18+s17] =	stream.strided.scatter [tilespmem:s21], [sflag:$0x2], $0x4000, s10, s17, $0x38;
	[tilespmem:$0x10000] =	vst v63  }
.LBB1_5:
0x1d: {  	s21 =	sadd.s32 $0x100, s12  }
0x1e: {  	s17 =	sadd.s32 $0x80, s13;
	s22 =	smov.u32 s13;
	p1 =	sgt.s32 s21, $0x7FF  }
0x1f: {  	s22 =	smov.u32 @p1 s17  }
0x20: {  	s23 =	smov.u32 s14;
	s17 =	sadd.s32 $0x4, s14;
	p2 =	sgt.s32 s22, $0x2FF  }
0x21: {  	s23 =	smov.u32 @p2 s17  }
0x22: {  	s24 =	smov.u32 s15;
	s17 =	sadd.s32 $0x4, s15;
	p3 =	sgt.s32 s23, $0x3  }
0x23: {  	p0 =	slt.u32 s16, $0x2;
	s24 =	smov.u32 @p3 s17  }
0x24: {  	s18 =	smov.u32 s13;
	s21 =	smov.u32 @p1 s1;
	p1 =	sgt.s32 s24, $0x3  }
0x25: {  	s25 =	simm.s32 @!p0 $0x2;
	s24 =	smov.u32 @p1 s7;
	p1 =	sne.s32 s16, s9  }
.Ltmp1:
0x26: {  	s19 =	smov.u32 s14;
	_ =	swait.ge @!p0 [sflag:s25], $0x4000;
	(pc) =	sbr.rel @!p1 .LBB1_6-.Ltmp1, $4  }
0x27: {  	s20 =	smov.u32 s15;
	[sflag:s25] =	ssyncset.done @!p0 $0x0;
	s22 =	simm.s32 @p2 $0x0  }
0x28: {  	s11 =	sadd.s32 $0x4000, s11;
	[sflag:s25] =	ssyncadd.s32 @!p0 $0xFFFFC000;
	s13 =	smov.u32 s22  }
0x29: {  	s23 =	smov.u32 @p3 s8;
	s17 =	smov.u32 s12;
	s12 =	smov.u32 s21  }
0x2a: {  	s14 =	smov.u32 s23;
	s16 =	sadd.s32 $0x1, s16;
	s15 =	smov.u32 s24  }
.LBB1_1:
0x2b: {  	p0 =	sge.u32 s16, s6  }
0x2c: {  	s21 =	sshll.u32 @!p0 s13, $0xB  }
0x2d: {  	s22 =	sshll.u32 @!p0 s12, $0x3;
	s21 =	sand.u32 @!p0 $0xFFFFC000, s21  }
0x2e: {  	s21 =	sadd.s32 @!p0 s21, s22  }
0x2f: {  	s25 =	sshll.u32 @!p0 s13, $0x7;
	s21 =	sshrl.u32 @!p0 s21, $0xB  }
0x30: {  	s26 =	sand.u32 @!p0 $0x78, s12;
	s25 =	sand.u32 @!p0 $0x380, s25;
	s23 =	smulhi.u32 @!p0 $0x555556, s21  }
0x31: {  	s31 =	sadd.s32 $0xFFFFFFFF, s16;
	s25 =	sor.u32 @!p0 s25, s26;
	s26 =	smul.u32 @!p0 $0xC0000, s15  }
0x32: {  	s24 =	sxor.u32 @!p0 $0xFFFFFFFF, s16;
	s22 =	sand.u32 @!p0 $0x400, s22;
	s23 =	smul.u32 @!p0 $0x300, s23  }
0x33: {  	s24 =	sshll.u32 @!p0 s24, $0xE;
	s22 =	sor.u32 @!p0 s22, s25;
	s25 =	smul.u32 @!p0 $0x30000, s14  }
0x34: {  	s21 =	ssub.s32 @!p0 s21, s23;
	s23 =	sand.u32 @!p0 $0x4000, s24;
	s24 =	sadd.s32 @!p0 s3, s26  }
0x35: {  	s22 =	sshrl.u32 @!p0 s22, $0x3;
	s24 =	sadd.s32 @!p0 s25, s24;
	s25 =	sand.u32 @!p0 $0x7, s12  }
0x36: {  	s21 =	sshll.u32 @!p0 s21, $0x8;
	s22 =	sadd.s32 @!p0 s22, s24;
	s24 =	sshll.u32 @!p0 s25, $0x12  }
0x37: {  	s21 =	sadd.s32 @!p0 s21, s22;
	s22 =	sor.u32 @!p0 $0x400, s24;
	s24 =	simm.s32 @!p0 $0x4000  }
0x38: {  	[tilespmem:s23], [sflag:$0x1] =	stream.strided.gather @!p0 [hbm4b:s21+s22], $0x4000, s24, s22, $0x38;
	[tilespmem:$0x10000] =	vst v63  }
0x39: {  	p0 =	sge.u32 s31, s6  }
.Ltmp2:
0x3a: {  	_ = 	snop;
	(pc) =	sbr.rel @p0 .LBB1_5-.Ltmp2, $1  }
0x3b: {  	_ =	sdelay $0x3  }
0x3c: {  	s21 =	sand.u32 $0x4000, s11  }
0x3d: {  	s22 =	sor.u32 $0x40, s21  }
0x3e: {  	v1 =	vmov s22;
	_ =	sdelay $0x1  }
0x3f: {  	_ =	swait.ge [sflag:s5], $0x4000  }
0x40: {  	[sflag:s5] =	ssyncset.done $0x0  }
0x41: {  	s23 =	simm.s32 $0x0;
	[sflag:s5] =	ssyncadd.s32 $0xFFFFC000  }
0x42: {  	s21 =	sor.u32 $0x8070, s21;
	v7 =	vld.idx.msk [tilespmem:v1+s23+$0x30 ss:$0x1], $0xffff  }
0x43: {  	v0 =	vmov s21;
	v8 =	vld.idx.msk [tilespmem:v1+s23+$0xFFFFFFC0 ss:$0x1], $0xffff  }
0x44: {  	v6 =	vld.idx.msk [tilespmem:v1+s23+$0xFFFFFFD0 ss:$0x1], $0xffff  }
0x45: {  	v4 =	vld.idx.msk [tilespmem:v1+s23+$0xFFFFFFE0 ss:$0x1], $0xffff  }
0x46: {  	v2 =	vld.idx.msk [tilespmem:v1+s23+$0xFFFFFFF0 ss:$0x1], $0xffff  }
0x47: {  	s31 =	sshll.u32 s16, $0xE;
	v3 =	vld.idx.msk [tilespmem:v1+s23+$0x0 ss:$0x1], $0xffff  }
0x48: {  	s21 =	sand.u32 $0x4000, s31;
	v5 =	vld.idx.msk [tilespmem:v1+s23+$0x10 ss:$0x1], $0xffff;
	[tilespmem:v0+s23+$0x0 ss:$0x1] =	vst.idx.msk $0xffff, v7  }
0x49: {  	s24 =	simm.s32 $0x400;
	s22 =	simm.s32 $0x80;
	s21 =	sor.u32 $0x8000, s21;
	[tilespmem:v0+s23+$0xFFFFFF90 ss:$0x1] =	vst.idx.msk $0xffff, v8;
	v7 =	vld.idx.msk [tilespmem:v1+s23+$0x20 ss:$0x1], $0xffff  }
.LBB1_3:
0x4a: {  	p0 =	sne.s32 s24, $0xFE00;
	v8 =	vld.idx.msk [tilespmem:v1+s22+$0x30 ss:$0x1], $0xffff;
	[tilespmem:v0+s23+$0xFFFFFFA0 ss:$0x1] =	vst.idx.msk $0xffff, v6  }
0x4b: {  	v9 =	vld.idx.msk [tilespmem:v1+s22+$0xFFFFFFC0 ss:$0x1], $0xffff;
	[tilespmem:v0+s23+$0xFFFFFFB0 ss:$0x1] =	vst.idx.msk $0xffff, v4  }
0x4c: {  	v6 =	vld.idx.msk [tilespmem:v1+s22+$0xFFFFFFD0 ss:$0x1], $0xffff;
	[tilespmem:v0+s23+$0xFFFFFFC0 ss:$0x1] =	vst.idx.msk $0xffff, v2  }
.Ltmp3:
0x4d: {  	v4 =	vld.idx.msk [tilespmem:v1+s22+$0xFFFFFFE0 ss:$0x1], $0xffff;
	[tilespmem:v0+s23+$0xFFFFFFD0 ss:$0x1] =	vst.idx.msk $0xffff, v3;
	(pc) =	sbr.rel @p0 .LBB1_3-.Ltmp3, $4  }
0x4e: {  	v2 =	vld.idx.msk [tilespmem:v1+s22+$0xFFFFFFF0 ss:$0x1], $0xffff;
	[tilespmem:v0+s23+$0xFFFFFFE0 ss:$0x1] =	vst.idx.msk $0xffff, v5  }
0x4f: {  	v3 =	vld.idx.msk [tilespmem:v1+s22+$0x0 ss:$0x1], $0xffff;
	[tilespmem:v0+s23+$0xFFFFFFF0 ss:$0x1] =	vst.idx.msk $0xffff, v7;
	s23 =	smov.u32 s22  }
0x50: {  	v5 =	vld.idx.msk [tilespmem:v1+s23+$0x10 ss:$0x1], $0xffff;
	[tilespmem:v0+s23+$0x0 ss:$0x1] =	vst.idx.msk $0xffff, v8  }
0x51: {  	s22 =	sshra.s32 s24, $0x2;
	s24 =	sadd.s32 $0x200, s24;
	[tilespmem:v0+s23+$0xFFFFFF90 ss:$0x1] =	vst.idx.msk $0xffff, v9;
	v7 =	vld.idx.msk [tilespmem:v1+s23+$0x20 ss:$0x1], $0xffff  }
.Ltmp4:
0x52: {  	_ = 	snop;
	(pc) =	sbr.rel .LBB1_4-.Ltmp4, $1  }
0x53: {  	_ =	sdelay $0x3  }
.LBB1_6:
0x54: {  	_ =	sfence.sel $0x180000  }
0x55: {  	s1 =	simm.s32 $0x1;
	[bflag:$0x0] =	sbarrier.arrive $0xFFFF  }
0x56: {  	s31 =	simm.s32 $0x2;
	[sflag:s1] =	ssyncpa.u1 $0x1  }
0x57: {  	[sflag:s31] =	ssyncpa.u1 $0x1  }
0x58: {  	p0 =	sne.s32 s2, $0x0;
	_ =	strace $0x9000004A  }
0x59: {  	s0 =	sadd.s32 @!p0 $0x100000, s0;
	[bflag:$0x2] =	sbarrier.arrive $0xFFFF  }
0x5a: {  	[sflag:s0] =	ssyncadd.tile.s32 @!p0 $0x1;
	_ =	shalt  }
.Lfunc_end1:
_tile_overlayer_lowered:
.L_overlay_start_2:
0x5b: {  	(tag) =	ssettag $0x2  }
0x5c: {  	s0 =	rddreg [dreg:$0x0];
	s2 =	stileid.u32  }
0x5d: {  	s1 =	rddreg [dreg:$0x1];
	p0 =	sne.s32 s2, $0x0  }
0x5e: {  	s3 =	rddreg [dreg:$0x2];
	[bflag:$0x3] =	sbarrier.arrive $0xFFFF;
	s2 =	simm.s32 @!p0 $0x1C01  }
0x5f: {  	[timem:s3], [sflag:s2] =	dma.local @!p0 [hbm:s0], s1  }
0x60: {  	s0 =	simm.s32 @!p0 $0x1  }
0x61: {  	_ =	swait.ge @!p0 [sflag:s0], s1  }
0x62: {  	s1 =	ssub.s32 @!p0 $0x0, s1;
	[sflag:s0] =	ssyncset.done @!p0 $0x0  }
0x63: {  	[sflag:s0] =	ssyncadd.s32 @!p0 s1  }
0x64: {  	[bflag:$0x3] =	sbarrier.arrive $0xFFFF  }
0x65: {  	_ =	shalt  }

// kernel: sparse-core-data-format-call.cloned.1.call-start
scs
called_computation_lowered:
.L_overlay_start_0:
0x0: {  	s1 =	sld [smem:$0x3FD9]  }
0x1: {  	s2 =	sld [smem:$0x3FFE];
	_ =	sdelay $0x1  }
0x2: {  	s3 =	srdreg.scid  }
0x3: {  	s0 =	sand.u32 $0x1, s3  }
0x4: {  	s17 =	sshll.u32 s0, $0xA;
	s1 =	sadd.s32 s2, s1  }
0x5: {  	s1 =	sadd.s32 s1, s17  }
0x6: {  	[smem:$0x3FC4] =	sst s1  }
0x7: {  	_ = 	snop  }
0x8: {  	(tm) =	ssettm $0x1  }
0x9: {  	s18 =	sld [smem:$0x3FFB];
	_ =	sdelay $0x3  }
0xa: {  	_ =	strace s18  }
0xb: {  	s1 =	sld [smem:$0x3FFC];
	_ =	sdelay $0x3  }
0xc: {  	_ =	strace s1  }
0xd: {  	s1 =	sld [smem:$0x3FFD];
	_ =	sdelay $0x3  }
0xe: {  	_ =	strace s1  }
0xf: {  	_ =	strace $0x8FFFFFFF  }
0x10: {  	s19 =	sld [smem:$0x3FDB];
	_ =	sdelay $0x1  }
0x11: {  	s20 =	simm.s32 $_scs_section_size  }
0x12: {  	s4 =	simm.s32 $_size__tile_overlayer_lowered;
	s5 =	simm.s32 $_tile_overlayer_lowered  }
0x13: {  	s23 =	simm.s32 $0x1BFF;
	s22 =	sshll.u32 s5, $0x1;
	s1 =	sadd.s32 s20, s19  }
0x14: {  	s6 =	simm.s32 $0x0;
	s21 =	sshll.u32 s4, $0x1;
	s4 =	sadd.s32 s22, s1  }
0x15: {  	[timem:s6], [sflag:s23] =	dma.local [hbm:s4], s21  }
0x16: {  	_ =	swait.ge [sflag:s23], s21  }
0x17: {  	s2 =	ssub.s32 $0x0, s21;
	[sflag:s23] =	ssyncset.done $0x0  }
0x18: {  	[sflag:s23] =	ssyncadd.s32 s2;
	_ =	sdelay $0x1  }
0x19: {  	s24 =	simm.s32 $0x1B8B  }
0x1a: {  	_ =	swait.ge [sflag:s24], $0x1  }
0x1b: {  	[sflag:s24] =	ssyncset.done $0x0  }
0x1c: {  	s26 =	simm.s32 $0x1B8E;
	s25 =	sld [smem:$0x3FFE];
	[sflag:s24] =	ssyncadd.s32 $0xFFFFFFFF  }
0x1d: {  	s27 =	simm.s32 $execute0_lowered;
	[smem:$0x3FD2] =	sst s26  }
0x1e: {  	s4 =	sshll.u32 s27, $0x1;
	_ =	strace $0x8000004C;
	[dreg:$0x1] =	wrdreg $0xFFFFFFFF  }
0x1f: {  	s28 =	simm.s32 $_size_execute0_lowered;
	s1 =	sadd.s32 s1, s4;
	[dreg:$0x0] =	wrdreg $0x0  }
0x20: {  	s4 =	sshll.u32 s28, $0x1;
	[dreg:$0x2] =	wrdreg s1  }
0x21: {  	[dreg:$0x3] =	wrdreg s4  }
0x22: {  	[dreg:$0x4] =	wrdreg $0xC0  }
0x23: {  	_ =	task [dreg:s6], $0x5FFFF  }
0x24: {  	[dreg:$0x1] =	wrdreg $0xFFFFFFFF  }
0x25: {  	[dreg:$0x0] =	wrdreg $0x60  }
0x26: {  	[dreg:$0x2] =	wrdreg s25  }
0x27: {  	[dreg:$0x3] =	wrdreg $0x9  }
0x28: {  	_ =	task.clear_ibuf [dreg:s6], $0x4FFFF;
	_ =	strace $0x9000004C  }
0x29: {  	s29 =	simm.s32 $0x9;
	_ =	strace $0x8000004E  }
0x2a: {  	_ =	swait.ge [sflag:s29], $0x1  }
0x2b: {  	[sflag:s29] =	ssyncadd.s32 $0xFFFFFFFF  }
0x2c: {  	_ =	strace $0x9000004E  }
0x2d: {  	_ =	sfence  }
0x2e: {  	s30 =	sld [smem:$0x0];
	_ =	sdelay $0x2  }
0x2f: {  	s31 =	sshll.u32 s3, $0xD;
	s3 =	sshrl.u32 s3, $0x2  }
0x30: {  	s2 =	sand.u32 $0x4000, s31;
	s1 =	sadd.s32 s3, s30  }
0x31: {  	s0 =	sor.u32 s2, s0;
	s1 =	sshll.u32 s1, $0x11  }
0x32: {  	s0 =	sor.u32 s1, s0  }
0x33: {  	s0 =	sadd.s32 $0x8F2B, s0  }
0x34: {  	[sflag:s0] =	ssyncadd.remote.s32 $0x1  }
0x35: {  	_ =	sfence.sel $0xFFFF  }
0x36: {  	[dreg:$0x0] =	wrdreg $0xFFFFFFFF;
	(pc) =	sbr.abs _section_cstart, $3  }
0x37: {  	[dreg:$0x1] =	wrdreg $0xFFFFFFFF  }
0x38: {  	_ =	task.clear_ibuf [dreg:s6], $0x2FFFF;
	_ =	strace $0x9FFFFFFF  }
0x39: {  	(tm) =	ssettm $0x7FFFFFFF  }
tec
execute0_lowered:
.L_overlay_start_1:
0x0: {  	(tag) =	ssettag $0x1  }
0x1: {  	s0 =	srdreg.scid  }
0x2: {  	s1 =	sshll.u32 s0, $0x4  }
0x3: {  	s0 =	stileid.u32;
	s1 =	sand.u32 $0x10, s1  }
0x4: {  	s6 =	rddreg [dreg:$0x0];
	s4 =	simm.s32 $0x1;
	s1 =	sor.u32 s0, s1  }
0x5: {  	s7 =	simm.s32 $0x2;
	s14 =	simm.s32 $0x0;
	s2 =	sshll.u32 s1, $0x3  }
0x6: {  	s8 =	simm.s32 $0x800;
	s9 =	simm.s32 $0x1800;
	s3 =	ssub.s32 $0x1000, s2  }
0x7: {  	s15 =	simm.s32 $0x0;
	s16 =	simm.s32 $0x0;
	s31 =	sand.u32 $0xF8, s3  }
0x8: {  	s10 =	simm.s32 $0x0;
	s1 =	rddreg [dreg:$0x1];
	p0 =	sne.s32 s31, $0x0  }
.Ltmp0:
0x9: {  	s5 =	sshrl.u32 s3, $0x8;
	s4 =	simm.s32 @!p0 $0x0;
	(pc) =	sbr.rel .LBB1_1-.Ltmp0, $4  }
0xa: {  	_ =	strace $0x8000004D;
	s3 =	simm.s32 $0x1;
	s4 =	sadd.s32 s4, s5  }
0xb: {  	s11 =	simm.s32 $0x0;
	[sflag:s3] =	ssyncpa.u1 $0x0;
	s4 =	smul.u32 $0x3, s4  }
0xc: {  	s13 =	simm.s32 $0x0;
	s12 =	smov.u32 s2;
	[sflag:s7] =	ssyncpa.u1 $0x0  }
0xd: {  	s5 =	sadd.s32 $0x305000, s6;
	s6 =	sadd.s32 $0x5000, s6;
	s7 =	sadd.s32 $0x1, s4  }
.LBB1_9:
0xe: {  	s17 =	sadd.s32 $0x2, s10  }
0xf: {  	s14 =	sadd.s32 $0x8, s11;
	s18 =	smov.u32 s11;
	p1 =	sgt.s32 s17, $0x5  }
0x10: {  	s18 =	smov.u32 @p1 s14  }
0x11: {  	s20 =	smov.u32 s12;
	s14 =	sadd.s32 $0x100, s12;
	p2 =	sgt.s32 s18, $0x7  }
0x12: {  	s20 =	smov.u32 @p2 s14  }
0x13: {  	s17 =	simm.s32 @p1 $0x0;
	p1 =	sgt.s32 s20, $0xFFF  }
0x14: {  	p0 =	slt.u32 s13, $0x2;
	s20 =	smov.u32 @p1 s2;
	p1 =	sne.s32 s13, s7  }
.Ltmp1:
0x15: {  	s19 =	simm.s32 @!p0 $0x2;
	(pc) =	sbr.rel @!p1 .LBB1_10-.Ltmp1, $4  }
0x16: {  	s15 =	smov.u32 s11;
	_ =	swait.ge @!p0 [sflag:s19], $0x4000  }
0x17: {  	s16 =	smov.u32 s12;
	[sflag:s19] =	ssyncset.done @!p0 $0x0;
	s18 =	simm.s32 @p2 $0x0  }
0x18: {  	s14 =	smov.u32 s10;
	[sflag:s19] =	ssyncadd.s32 @!p0 $0xFFFFC000;
	s10 =	smov.u32 s17  }
0x19: {  	s11 =	smov.u32 s18;
	s13 =	sadd.s32 $0x1, s13;
	s12 =	smov.u32 s20  }
.LBB1_1:
0x1a: {  	p0 =	sge.u32 s13, s4;
	s31 =	sadd.s32 $0xFFFFFFFF, s13  }
0x1b: {  	s17 =	sxor.u32 @!p0 $0xFFFFFFFF, s13;
	s18 =	sshll.u32 @!p0 s12, $0xA;
	s19 =	sshll.u32 @!p0 s11, $0x7  }
0x1c: {  	s20 =	sshll.u32 @!p0 s10, $0x4;
	s17 =	sshll.u32 @!p0 s17, $0xE;
	s18 =	sadd.s32 @!p0 s5, s18  }
0x1d: {  	s20 =	sand.u32 @!p0 $0x70, s20;
	s17 =	sand.u32 @!p0 $0x4000, s17;
	s18 =	sadd.s32 @!p0 s19, s18  }
0x1e: {  	s19 =	simm.s32 @!p0 $0x100;
	s18 =	sadd.s32 @!p0 s20, s18;
	s20 =	simm.s32 @!p0 $0x400  }
0x1f: {  	[tilespmem:s17], [sflag:$0x1] =	stream.strided.gather @!p0 [hbm4b:s18+s19], $0x4000, s20, s19, $0x38;
	[tilespmem:$0x10000] =	vst v63  }
0x20: {  	p0 =	sge.u32 s31, s4  }
.Ltmp2:
0x21: {  	_ = 	snop;
	(pc) =	sbr.rel @p0 .LBB1_9-.Ltmp2, $1  }
0x22: {  	_ =	sdelay $0x3  }
0x23: {  	_ =	swait.ge [sflag:s3], $0x4000;
	s17 =	sshll.u32 s13, $0xE  }
0x24: {  	[sflag:s3] =	ssyncset.done $0x0;
	s18 =	sand.u32 $0x4000, s17  }
0x25: {  	s19 =	simm.s32 $0x0;
	[sflag:s3] =	ssyncadd.s32 $0xFFFFC000;
	s17 =	sor.u32 $0x8000, s18  }
.LBB1_3:
0x26: {  	s21 =	sshll.u32 s19, $0xB  }
0x27: {  	s22 =	simm.s32 $0x0;
	s20 =	sadd.s32 s21, s18;
	s21 =	sadd.s32 s21, s17  }
.LBB1_4:
0x28: {  	s23 =	sshll.u32 s22, $0x8  }
0x29: {  	s23 =	sand.u32 $0x3FFFFF00, s23  }
0x2a: {  	s24 =	sshll.u32 s22, $0x7;
	s25 =	sadd.s32 s23, s20  }
0x2b: {  	s24 =	sand.u32 $0x3FFFFF80, s24;
	v0 =	vmov s25  }
0x2c: {  	s24 =	sadd.s32 s24, s21  }
0x2d: {  	p0 =	por $0x1, $0x1;
	s23 =	simm.s32 $0x0;
	v1 =	vmov s24  }
.LBB1_5:
0x2e: {  	s24 =	sshll.u32 s23, $0x7  }
0x2f: {  	s24 =	sand.u32 $0x3FFFFF80, s24  }
0x30: {  	v2 =	vld.idx.msk [tilespmem:v0+s24+$0x0 ss:$0x1], $0xffff  }
0x31: {  	v3 =	vld.idx.msk [tilespmem:v0+s24+$0x10 ss:$0x1], $0xffff  }
0x32: {  	v4 =	vld.idx.msk [tilespmem:v0+s24+$0x20 ss:$0x1], $0xffff  }
0x33: {  	s31 =	sshll.u32 s23, $0xA;
	v5 =	vld.idx.msk [tilespmem:v0+s24+$0x30 ss:$0x1], $0xffff  }
0x34: {  	s23 =	sand.u32 $0x3FFFFC00, s31;
	v6 =	vld.idx.msk [tilespmem:v0+s24+$0x40 ss:$0x1], $0xffff  }
0x35: {  	v63 =	vld.idx.msk [tilespmem:v0+s24+$0x70 ss:$0x1], $0xffff;
	[tilespmem:v1+s23+$0x0 ss:$0x1] =	vst.idx.msk $0xffff, v2  }
0x36: {  	v2 =	vld.idx.msk [tilespmem:v0+s24+$0x50 ss:$0x1], $0xffff;
	[tilespmem:v1+s23+$0x10 ss:$0x1] =	vst.idx.msk $0xffff, v3  }
0x37: {  	p1 =	por p0, p0;
	v3 =	vld.idx.msk [tilespmem:v0+s24+$0x60 ss:$0x1], $0xffff;
	[tilespmem:v1+s23+$0x20 ss:$0x1] =	vst.idx.msk $0xffff, v4  }
.Ltmp3:
0x38: {  	[tilespmem:v1+s23+$0x30 ss:$0x1] =	vst.idx.msk $0xffff, v5;
	(pc) =	sbr.rel @p1 .LBB1_5-.Ltmp3, $4  }
0x39: {  	[tilespmem:v1+s23+$0x40 ss:$0x1] =	vst.idx.msk $0xffff, v6  }
0x3a: {  	[tilespmem:v1+s23+$0x70 ss:$0x1] =	vst.idx.msk $0xffff, v63  }
0x3b: {  	[tilespmem:v1+s23+$0x50 ss:$0x1] =	vst.idx.msk $0xffff, v2  }
0x3c: {  	p0 =	por $0x0, $0x0;
	[tilespmem:v1+s23+$0x60 ss:$0x1] =	vst.idx.msk $0xffff, v3;
	s23 =	simm.s32 $0x1  }
0x3d: {  	s22 =	sadd.s32 $0x1, s22  }
0x3e: {  	p0 =	sne.s32 s22, $0x8  }
.Ltmp4:
0x3f: {  	_ = 	snop;
	(pc) =	sbr.rel @p0 .LBB1_4-.Ltmp4, $1  }
0x40: {  	_ =	sdelay $0x3  }
0x41: {  	s19 =	sadd.s32 $0x1, s19  }
0x42: {  	p0 =	sne.s32 s19, $0x8  }
.Ltmp5:
0x43: {  	_ = 	snop;
	(pc) =	sbr.rel @p0 .LBB1_3-.Ltmp5, $1  }
0x44: {  	_ =	sdelay $0x3  }
0x45: {  	s16 =	smul.u32 $0x300, s16  }
.Ltmp6:
0x46: {  	_ = 	snop;
	(pc) =	sbr.rel .LBB1_9-.Ltmp6, $4  }
0x47: {  	s14 =	sshll.u32 s14, $0x7;
	s15 =	sshll.u32 s15, $0x4;
	s16 =	sadd.s32 s6, s16  }
0x48: {  	s15 =	sand.u32 $0x70, s15;
	s14 =	sadd.s32 s14, s16  }
0x49: {  	s14 =	sadd.s32 s15, s14  }
0x4a: {  	[hbm4b:s14+s8] =	stream.strided.scatter [tilespmem:s17], [sflag:$0x2], $0x4000, s9, s8, $0x38;
	[tilespmem:$0x10000] =	vst v63  }
.LBB1_10:
0x4b: {  	_ =	sfence.sel $0x180000  }
0x4c: {  	s2 =	simm.s32 $0x1;
	[bflag:$0x0] =	sbarrier.arrive $0xFFFF  }
0x4d: {  	s31 =	simm.s32 $0x2;
	[sflag:s2] =	ssyncpa.u1 $0x1  }
0x4e: {  	[sflag:s31] =	ssyncpa.u1 $0x1  }
0x4f: {  	p0 =	sne.s32 s0, $0x0;
	_ =	strace $0x9000004D  }
0x50: {  	s0 =	sadd.s32 @!p0 $0x100000, s1;
	[bflag:$0x2] =	sbarrier.arrive $0xFFFF  }
0x51: {  	[sflag:s0] =	ssyncadd.tile.s32 @!p0 $0x1;
	_ =	shalt  }
.Lfunc_end1:
_tile_overlayer_lowered:
.L_overlay_start_2:
0x52: {  	(tag) =	ssettag $0x2  }
0x53: {  	s0 =	rddreg [dreg:$0x0];
	s2 =	stileid.u32  }
0x54: {  	s1 =	rddreg [dreg:$0x1];
	p0 =	sne.s32 s2, $0x0  }
0x55: {  	s3 =	rddreg [dreg:$0x2];
	[bflag:$0x3] =	sbarrier.arrive $0xFFFF;
	s2 =	simm.s32 @!p0 $0x1C01  }
0x56: {  	[timem:s3], [sflag:s2] =	dma.local @!p0 [hbm:s0], s1  }
0x57: {  	s0 =	simm.s32 @!p0 $0x1  }
0x58: {  	_ =	swait.ge @!p0 [sflag:s0], s1  }
0x59: {  	s1 =	ssub.s32 @!p0 $0x0, s1;
	[sflag:s0] =	ssyncset.done @!p0 $0x0  }
0x5a: {  	[sflag:s0] =	ssyncadd.s32 @!p0 s1  }
0x5b: {  	[bflag:$0x3] =	sbarrier.arrive $0xFFFF  }
0x5c: {  	_ =	shalt  }

</sc_bundles>
